<compile_context>
chip_gen: v7x
topology: tpu7x:2x2x1
jax: 0.10.2.dev20260603
libtpu: 0.0.44.dev20260713+nightly
codegen_flags: <defaults>
</compile_context>

<pallas_src>
import jax
import jax.numpy as jnp
from jax import lax
from jax.experimental import pallas as pl
from jax.experimental.pallas import tpu as pltpu
from jax.experimental.pallas import tpu_sc as plsc

_B = 1048576
_NW = 32
_CHUNK = _B // _NW
_S = 8192
_NSUB = _CHUNK // _S


def _sc_body(idx_hbm, tab_hbm, out_hbm, pdf_hbm, tab_v, pdf_v,
             idx_v0, idx_v1, val_v0, val_v1, sem_in, sem_out, sem_pdf):
    c = lax.axis_index("c")
    s = lax.axis_index("s")
    wid = s * 2 + c
    base0 = wid * _CHUNK
    pltpu.sync_copy(tab_hbm, tab_v)

    inv_n = jnp.full((16,), 0.015625, dtype=jnp.float32)

    @plsc.parallel_loop(0, _S, step=16, unroll=8)
    def _fill(i):
        pdf_v[pl.ds(i, 16)] = inv_n

    ibufs = [idx_v0, idx_v1]
    vbufs = [val_v0, val_v1]

    def in_copy(k, buf):
        return pltpu.make_async_copy(
            idx_hbm.at[pl.ds(base0 + k * _S, _S)], buf, sem_in)

    def out_copy(k, buf):
        return pltpu.make_async_copy(
            buf, out_hbm.at[pl.ds(base0 + k * _S, _S)], sem_out)

    def pdf_copy(k):
        return pltpu.make_async_copy(
            pdf_v, pdf_hbm.at[pl.ds(base0 + k * _S, _S)], sem_pdf)

    in_copy(0, ibufs[0]).start()

    def outer(k2, carry):
        k = k2 * 2
        for b in (0, 1):
            kk = k + b
            ibuf = ibufs[b]
            vbuf = vbufs[b]

            @pl.when(kk + 1 < _NSUB)
            def _():
                in_copy(kk + 1, ibufs[1 - b]).start()

            pdf_copy(kk).start()
            in_copy(kk, ibuf).wait()

            @pl.when(kk >= 2)
            def _():
                out_copy(kk - 2, vbuf).wait()

            @plsc.parallel_loop(0, _S, step=16, unroll=16)
            def _inner(i, ibuf=ibuf, vbuf=vbuf):
                vi = ibuf[pl.ds(i, 16)]
                vbuf[pl.ds(i, 16)] = plsc.load_gather(tab_v, [vi])

            out_copy(kk, vbuf).start()
        return carry

    lax.fori_loop(0, _NSUB // 2, outer, 0)
    out_copy(_NSUB - 2, vbufs[0]).wait()
    out_copy(_NSUB - 1, vbufs[1]).wait()

    def drain_pdf(k, carry):
        pdf_copy(k).wait()
        return carry

    lax.fori_loop(0, _NSUB, drain_pdf, 0)


def _sc_gather(idx, table):
    call = pl.kernel(
        _sc_body,
        out_type=(
            jax.ShapeDtypeStruct((_B,), jnp.float32),
            jax.ShapeDtypeStruct((_B,), jnp.float32),
        ),
        mesh=plsc.VectorSubcoreMesh(core_axis_name="c", subcore_axis_name="s"),
        scratch_types=[
            pltpu.VMEM((64,), jnp.float32),
            pltpu.VMEM((_S,), jnp.float32),
            pltpu.VMEM((_S,), jnp.int32),
            pltpu.VMEM((_S,), jnp.int32),
            pltpu.VMEM((_S,), jnp.float32),
            pltpu.VMEM((_S,), jnp.float32),
            pltpu.SemaphoreType.DMA,
            pltpu.SemaphoreType.DMA,
            pltpu.SemaphoreType.DMA,
        ],
        compiler_params=pltpu.CompilerParams(needs_layout_passes=False),
    )
    return call(idx, table)


def kernel(position, idx, light_positions, light_intensities):
    b = idx.shape[0]
    n = light_positions.shape[0]
    table = light_intensities.reshape(n).astype(jnp.float32)
    vals, pdf = _sc_gather(idx, table)
    le = jnp.broadcast_to(vals[:, None], (b, 3))
    valid = jnp.ones((b,), dtype=bool)
    return (le, pdf.reshape(b, 1), valid)

# --- scband reference (transcript-rebuilt; emitter-appended) ---
"""Pipeline reference for scband-dynamic-point-emitter-74259984547965 (READ-ONLY COPY).

The authoritative reference and input builder live on the scoring server;
editing this copy changes nothing except your own understanding.
"""

import jax, jax.numpy as jnp
import numpy as np

NUM_LIGHTS = 64
DIST = 4.0
B = 1048576


def setup_inputs(seed: int = 0) -> dict:
    key = jax.random.key(seed)
    k1, k2, k3, k4, k5 = jax.random.split(key, 5)
    position = jax.random.normal(k1, (B, 3), dtype=jnp.float32)
    idx = jax.random.randint(k2, (B,), 0, NUM_LIGHTS, dtype=jnp.int32)
    # Buffers created in __init__ of the torch module (random lights on a sphere)
    theta = jnp.arccos(1.0 - 2.0 * jax.random.uniform(k3, (NUM_LIGHTS,), dtype=jnp.float32))
    phi = 2.0 * jnp.pi * jax.random.uniform(k4, (NUM_LIGHTS,), dtype=jnp.float32)
    x = DIST * jnp.sin(theta) * jnp.cos(phi)
    y = DIST * jnp.sin(theta) * jnp.sin(phi)
    z = DIST * jnp.cos(theta)
    light_positions = jnp.stack([x, y, z], axis=1)  # (N, 3)
    light_intensities = jax.random.uniform(k5, (NUM_LIGHTS, 1), dtype=jnp.float32) * 49.0 + 1.0
    return {
        "position": position,
        "idx": idx,
        "light_positions": light_positions,
        "light_intensities": light_intensities,
    }


def reference(position, idx, light_positions, light_intensities):
    # Faithful translation of DynamicPointEmitter.eval_emitter
    b = position.shape[0]
    n = light_positions.shape[0]
    # embedding-style gather: intensities = self.light_intensities[idx].expand(-1, 3)
    intensities = jnp.take(light_intensities, idx, axis=0)  # (B, 1)
    Le = jnp.broadcast_to(intensities, (b, 3))  # (B, 3)
    pdf = jnp.full((b, 1), 1.0 / n, dtype=position.dtype)
    valid = jnp.ones((b,), dtype=bool)
    return (Le, pdf, valid)

if __name__ == "__main__":
    import jax
    _d = setup_inputs()
    print(jax.jit(kernel)(*tuple(_d.values())))

</pallas_src>

<mosaic_0001>
#map = affine_map<(d0, d1) -> (0)>
module attributes {stable_mosaic.version = 14 : i64} {
  func.func @_sc_body(%arg0: i32, %arg1: i32, %arg2: memref<1048576xi32, #tpu.memory_space<hbm>>, %arg3: memref<64xf32, #tpu.memory_space<hbm>>, %arg4: memref<1048576xf32, #tpu.memory_space<hbm>>, %arg5: memref<1048576xf32, #tpu.memory_space<hbm>>, %arg6: memref<64xf32, #tpu.memory_space<vmem>>, %arg7: memref<8192xf32, #tpu.memory_space<vmem>>, %arg8: memref<8192xi32, #tpu.memory_space<vmem>>, %arg9: memref<8192xi32, #tpu.memory_space<vmem>>, %arg10: memref<8192xf32, #tpu.memory_space<vmem>>, %arg11: memref<8192xf32, #tpu.memory_space<vmem>>, %arg12: memref<!tpu.dma_semaphore, #tpu.memory_space<semaphore_mem>>, %arg13: memref<!tpu.dma_semaphore, #tpu.memory_space<semaphore_mem>>, %arg14: memref<!tpu.dma_semaphore, #tpu.memory_space<semaphore_mem>>) attributes {dimension_semantics = [#tpu.dimension_semantics<core_parallel>, #tpu.dimension_semantics<subcore_parallel>], iteration_bounds = array<i64: 2, 16>, scalar_prefetch = 0 : i64, scratch_operands = 9 : i64, tpu.core_type = #tpu.core_type<sc_vector_subcore>, window_params = [{transform_indices = #map}, {transform_indices = #map}, {transform_indices = #map}, {transform_indices = #map}]} {
    %mul3A = arith.constant 2 : i32
    %mul3A_0 = arith.muli %arg1, %mul3A : i32
    %add3A = arith.addi %mul3A_0, %arg0 : i32
    %mul3A_1 = arith.constant 32768 : i32
    %mul3A_2 = arith.muli %add3A, %mul3A_1 : i32
    "tpu.region"() ({
      %run_scoped3A = tpu.sem_alloc : memref<!tpu.dma_semaphore, #tpu.memory_space<semaphore_mem>>
      tpu.enqueue_dma source(%arg3 : memref<64xf32, #tpu.memory_space<hbm>>) target(%arg6 : memref<64xf32, #tpu.memory_space<vmem>>) target_semaphore(%run_scoped3A : memref<!tpu.dma_semaphore, #tpu.memory_space<semaphore_mem>>)
      tpu.wait_dma2 semaphore(%run_scoped3A : memref<!tpu.dma_semaphore, #tpu.memory_space<semaphore_mem>>) src(%arg3 : memref<64xf32, #tpu.memory_space<hbm>>) dst(%arg6 : memref<64xf32, #tpu.memory_space<vmem>>)
      tpu.yield
    }) : () -> ()
    %broadcast_in_dim3A = arith.constant 1.562500e-02 : f32
    %broadcast_in_dim3A_3 = vector.broadcast %broadcast_in_dim3A : f32 to vector<16xf32>
    %parallel_loop3A = arith.constant 0 : i32
    %parallel_loop3A_4 = arith.constant 8192 : i32
    %parallel_loop3A_5 = arith.constant 16 : i32
    scf.for %parallel_loop3A_27 = %parallel_loop3A to %parallel_loop3A_4 step %parallel_loop3A_5  : i32 {
      %parallel_loop3A_28 = arith.index_cast %parallel_loop3A_27 : i32 to index
      %parallel_loop3A_29 = tpu.vector_load %arg7[%parallel_loop3A_28] {strides = array<i32>} : memref<8192xf32, #tpu.memory_space<vmem>>, vector<16xf32>,
      tpu.vector_store %arg7[%parallel_loop3A_28], %broadcast_in_dim3A_3 {strides = array<i32>} : memref<8192xf32, #tpu.memory_space<vmem>>, vector<16xf32>,
    } {sc.loop_unroll_factor = 8 : i64, sc.parallel_access}
    %add3A_6 = arith.constant 0 : i32
    %add3A_7 = arith.addi %mul3A_2, %add3A_6 : i32
    %dma_start3A = tpu.memref_slice %arg2[%add3A_7] : memref<1048576xi32, #tpu.memory_space<hbm>> -> memref<8192xi32, #tpu.memory_space<hbm>>
    %dma_start3A_8 = tpu.memref_slice %arg2[%add3A_7] : memref<1048576xi32, #tpu.memory_space<hbm>> -> memref<8192xi32, #tpu.memory_space<hbm>>
    tpu.enqueue_dma source(%dma_start3A_8 : memref<8192xi32, #tpu.memory_space<hbm>>) target(%arg8 : memref<8192xi32, #tpu.memory_space<vmem>>) target_semaphore(%arg12 : memref<!tpu.dma_semaphore, #tpu.memory_space<semaphore_mem>>)
    %scan3A = arith.constant 0 : i32
    %scan3A_9 = arith.constant 0 : i32
    %scan3A_10 = arith.constant 2 : i32
    %scan3A_11 = arith.addi %scan3A_9, %scan3A_10 : i32
    %scan3A_12 = arith.constant 1 : i32
    scf.for %scan3A_27 = %scan3A_9 to %scan3A_11 step %scan3A_12  : i32 {
      %mul3A_28 = arith.constant 2 : i32
      %mul3A_29 = arith.muli %scan3A_27, %mul3A_28 : i32
      %add3A_30 = arith.constant 0 : i32
      %add3A_31 = arith.addi %mul3A_29, %add3A_30 : i32
      %add3A_32 = arith.constant 1 : i32
      %add3A_33 = arith.addi %add3A_31, %add3A_32 : i32
      %lt3A = arith.constant 4 : i32
      %lt3A_34 = arith.cmpi slt, %add3A_33, %lt3A : i32
      %convert_element_type3A = arith.extui %lt3A_34 : i1 to i32
      %cond3A = arith.constant 0 : i32
      %cond3A_35 = arith.cmpi ne, %convert_element_type3A, %cond3A : i32
      scf.if %cond3A_35 {
        %add3A_90 = arith.constant 1 : i32
        %add3A_91 = arith.addi %add3A_31, %add3A_90 : i32
        %mul3A_92 = arith.constant 8192 : i32
        %mul3A_93 = arith.muli %add3A_91, %mul3A_92 : i32
        %add3A_94 = arith.addi %mul3A_2, %mul3A_93 : i32
        %dma_start3A_95 = tpu.memref_slice %arg2[%add3A_94] : memref<1048576xi32, #tpu.memory_space<hbm>> -> memref<8192xi32, #tpu.memory_space<hbm>>
        %dma_start3A_96 = tpu.memref_slice %arg2[%add3A_94] : memref<1048576xi32, #tpu.memory_space<hbm>> -> memref<8192xi32, #tpu.memory_space<hbm>>
        tpu.enqueue_dma source(%dma_start3A_96 : memref<8192xi32, #tpu.memory_space<hbm>>) target(%arg9 : memref<8192xi32, #tpu.memory_space<vmem>>) target_semaphore(%arg12 : memref<!tpu.dma_semaphore, #tpu.memory_space<semaphore_mem>>)
      } else {
      }
      %mul3A_36 = arith.constant 8192 : i32
      %mul3A_37 = arith.muli %add3A_31, %mul3A_36 : i32
      %add3A_38 = arith.addi %mul3A_2, %mul3A_37 : i32
      %dma_start3A_39 = tpu.memref_slice %arg5[%add3A_38] : memref<1048576xf32, #tpu.memory_space<hbm>> -> memref<8192xf32, #tpu.memory_space<hbm>>
      %dma_start3A_40 = tpu.memref_slice %arg5[%add3A_38] : memref<1048576xf32, #tpu.memory_space<hbm>> -> memref<8192xf32, #tpu.memory_space<hbm>>
      tpu.enqueue_dma source(%arg7 : memref<8192xf32, #tpu.memory_space<vmem>>) target(%dma_start3A_40 : memref<8192xf32, #tpu.memory_space<hbm>>) target_semaphore(%arg14 : memref<!tpu.dma_semaphore, #tpu.memory_space<semaphore_mem>>)
      %mul3A_41 = arith.constant 8192 : i32
      %mul3A_42 = arith.muli %add3A_31, %mul3A_41 : i32
      %add3A_43 = arith.addi %mul3A_2, %mul3A_42 : i32
      %dma_wait3A_44 = tpu.memref_slice %arg2[%add3A_43] : memref<1048576xi32, #tpu.memory_space<hbm>> -> memref<8192xi32, #tpu.memory_space<hbm>>
      %dma_wait3A_45 = tpu.memref_slice %arg2[%add3A_43] : memref<1048576xi32, #tpu.memory_space<hbm>> -> memref<8192xi32, #tpu.memory_space<hbm>>
      tpu.wait_dma2 semaphore(%arg12 : memref<!tpu.dma_semaphore, #tpu.memory_space<semaphore_mem>>) src(%dma_wait3A_45 : memref<8192xi32, #tpu.memory_space<hbm>>) dst(%arg8 : memref<8192xi32, #tpu.memory_space<vmem>>)
      %ge3A = arith.constant 2 : i32
      %ge3A_46 = arith.cmpi sge, %add3A_31, %ge3A : i32
      %convert_element_type3A_47 = arith.extui %ge3A_46 : i1 to i32
      %cond3A_48 = arith.constant 0 : i32
      %cond3A_49 = arith.cmpi ne, %convert_element_type3A_47, %cond3A_48 : i32
      scf.if %cond3A_49 {
        %sub3A = arith.constant 2 : i32
        %sub3A_90 = arith.subi %add3A_31, %sub3A : i32
        %mul3A_91 = arith.constant 8192 : i32
        %mul3A_92 = arith.muli %sub3A_90, %mul3A_91 : i32
        %add3A_93 = arith.addi %mul3A_2, %mul3A_92 : i32
        %dma_wait3A_94 = tpu.memref_slice %arg4[%add3A_93] : memref<1048576xf32, #tpu.memory_space<hbm>> -> memref<8192xf32, #tpu.memory_space<hbm>>
        %dma_wait3A_95 = tpu.memref_slice %arg4[%add3A_93] : memref<1048576xf32, #tpu.memory_space<hbm>> -> memref<8192xf32, #tpu.memory_space<hbm>>
        tpu.wait_dma2 semaphore(%arg13 : memref<!tpu.dma_semaphore, #tpu.memory_space<semaphore_mem>>) src(%arg10 : memref<8192xf32, #tpu.memory_space<vmem>>) dst(%dma_wait3A_95 : memref<8192xf32, #tpu.memory_space<hbm>>)
      } else {
      }
      %parallel_loop3A_50 = arith.constant 0 : i32
      %parallel_loop3A_51 = arith.constant 8192 : i32
      %parallel_loop3A_52 = arith.constant 16 : i32
      scf.for %parallel_loop3A_90 = %parallel_loop3A_50 to %parallel_loop3A_51 step %parallel_loop3A_52  : i32 {
        %parallel_loop3A_91 = arith.index_cast %parallel_loop3A_90 : i32 to index
        %parallel_loop3A_92 = tpu.vector_load %arg8[%parallel_loop3A_91] {strides = array<i32>} : memref<8192xi32, #tpu.memory_space<vmem>>, vector<16xi32>,
        %parallel_loop3A_93 = tpu.vector_load_idx %arg6[%parallel_loop3A_92] : memref<64xf32, #tpu.memory_space<vmem>>[vector<16xi32>], vector<16xf32>,
        %parallel_loop3A_94 = arith.index_cast %parallel_loop3A_90 : i32 to index
        %parallel_loop3A_95 = tpu.vector_load %arg10[%parallel_loop3A_94] {strides = array<i32>} : memref<8192xf32, #tpu.memory_space<vmem>>, vector<16xf32>,
        tpu.vector_store %arg10[%parallel_loop3A_94], %parallel_loop3A_93 {strides = array<i32>} : memref<8192xf32, #tpu.memory_space<vmem>>, vector<16xf32>,
      } {sc.loop_unroll_factor = 16 : i64, sc.parallel_access}
      %mul3A_53 = arith.constant 8192 : i32
      %mul3A_54 = arith.muli %add3A_31, %mul3A_53 : i32
      %add3A_55 = arith.addi %mul3A_2, %mul3A_54 : i32
      %dma_start3A_56 = tpu.memref_slice %arg4[%add3A_55] : memref<1048576xf32, #tpu.memory_space<hbm>> -> memref<8192xf32, #tpu.memory_space<hbm>>
      %dma_start3A_57 = tpu.memref_slice %arg4[%add3A_55] : memref<1048576xf32, #tpu.memory_space<hbm>> -> memref<8192xf32, #tpu.memory_space<hbm>>
      tpu.enqueue_dma source(%arg10 : memref<8192xf32, #tpu.memory_space<vmem>>) target(%dma_start3A_57 : memref<8192xf32, #tpu.memory_space<hbm>>) target_semaphore(%arg13 : memref<!tpu.dma_semaphore, #tpu.memory_space<semaphore_mem>>)
      %add3A_58 = arith.constant 1 : i32
      %add3A_59 = arith.addi %mul3A_29, %add3A_58 : i32
      %add3A_60 = arith.constant 1 : i32
      %add3A_61 = arith.addi %add3A_59, %add3A_60 : i32
      %lt3A_62 = arith.constant 4 : i32
      %lt3A_63 = arith.cmpi slt, %add3A_61, %lt3A_62 : i32
      %convert_element_type3A_64 = arith.extui %lt3A_63 : i1 to i32
      %cond3A_65 = arith.constant 0 : i32
      %cond3A_66 = arith.cmpi ne, %convert_element_type3A_64, %cond3A_65 : i32
      scf.if %cond3A_66 {
        %add3A_90 = arith.constant 1 : i32
        %add3A_91 = arith.addi %add3A_59, %add3A_90 : i32
        %mul3A_92 = arith.constant 8192 : i32
        %mul3A_93 = arith.muli %add3A_91, %mul3A_92 : i32
        %add3A_94 = arith.addi %mul3A_2, %mul3A_93 : i32
        %dma_start3A_95 = tpu.memref_slice %arg2[%add3A_94] : memref<1048576xi32, #tpu.memory_space<hbm>> -> memref<8192xi32, #tpu.memory_space<hbm>>
        %dma_start3A_96 = tpu.memref_slice %arg2[%add3A_94] : memref<1048576xi32, #tpu.memory_space<hbm>> -> memref<8192xi32, #tpu.memory_space<hbm>>
        tpu.enqueue_dma source(%dma_start3A_96 : memref<8192xi32, #tpu.memory_space<hbm>>) target(%arg8 : memref<8192xi32, #tpu.memory_space<vmem>>) target_semaphore(%arg12 : memref<!tpu.dma_semaphore, #tpu.memory_space<semaphore_mem>>)
      } else {
      }
      %mul3A_67 = arith.constant 8192 : i32
      %mul3A_68 = arith.muli %add3A_59, %mul3A_67 : i32
      %add3A_69 = arith.addi %mul3A_2, %mul3A_68 : i32
      %dma_start3A_70 = tpu.memref_slice %arg5[%add3A_69] : memref<1048576xf32, #tpu.memory_space<hbm>> -> memref<8192xf32, #tpu.memory_space<hbm>>
      %dma_start3A_71 = tpu.memref_slice %arg5[%add3A_69] : memref<1048576xf32, #tpu.memory_space<hbm>> -> memref<8192xf32, #tpu.memory_space<hbm>>
      tpu.enqueue_dma source(%arg7 : memref<8192xf32, #tpu.memory_space<vmem>>) target(%dma_start3A_71 : memref<8192xf32, #tpu.memory_space<hbm>>) target_semaphore(%arg14 : memref<!tpu.dma_semaphore, #tpu.memory_space<semaphore_mem>>)
      %mul3A_72 = arith.constant 8192 : i32
      %mul3A_73 = arith.muli %add3A_59, %mul3A_72 : i32
      %add3A_74 = arith.addi %mul3A_2, %mul3A_73 : i32
      %dma_wait3A_75 = tpu.memref_slice %arg2[%add3A_74] : memref<1048576xi32, #tpu.memory_space<hbm>> -> memref<8192xi32, #tpu.memory_space<hbm>>
      %dma_wait3A_76 = tpu.memref_slice %arg2[%add3A_74] : memref<1048576xi32, #tpu.memory_space<hbm>> -> memref<8192xi32, #tpu.memory_space<hbm>>
      tpu.wait_dma2 semaphore(%arg12 : memref<!tpu.dma_semaphore, #tpu.memory_space<semaphore_mem>>) src(%dma_wait3A_76 : memref<8192xi32, #tpu.memory_space<hbm>>) dst(%arg9 : memref<8192xi32, #tpu.memory_space<vmem>>)
      %ge3A_77 = arith.constant 2 : i32
      %ge3A_78 = arith.cmpi sge, %add3A_59, %ge3A_77 : i32
      %convert_element_type3A_79 = arith.extui %ge3A_78 : i1 to i32
      %cond3A_80 = arith.constant 0 : i32
      %cond3A_81 = arith.cmpi ne, %convert_element_type3A_79, %cond3A_80 : i32
      scf.if %cond3A_81 {
        %sub3A = arith.constant 2 : i32
        %sub3A_90 = arith.subi %add3A_59, %sub3A : i32
        %mul3A_91 = arith.constant 8192 : i32
        %mul3A_92 = arith.muli %sub3A_90, %mul3A_91 : i32
        %add3A_93 = arith.addi %mul3A_2, %mul3A_92 : i32
        %dma_wait3A_94 = tpu.memref_slice %arg4[%add3A_93] : memref<1048576xf32, #tpu.memory_space<hbm>> -> memref<8192xf32, #tpu.memory_space<hbm>>
        %dma_wait3A_95 = tpu.memref_slice %arg4[%add3A_93] : memref<1048576xf32, #tpu.memory_space<hbm>> -> memref<8192xf32, #tpu.memory_space<hbm>>
        tpu.wait_dma2 semaphore(%arg13 : memref<!tpu.dma_semaphore, #tpu.memory_space<semaphore_mem>>) src(%arg11 : memref<8192xf32, #tpu.memory_space<vmem>>) dst(%dma_wait3A_95 : memref<8192xf32, #tpu.memory_space<hbm>>)
      } else {
      }
      %parallel_loop3A_82 = arith.constant 0 : i32
      %parallel_loop3A_83 = arith.constant 8192 : i32
      %parallel_loop3A_84 = arith.constant 16 : i32
      scf.for %parallel_loop3A_90 = %parallel_loop3A_82 to %parallel_loop3A_83 step %parallel_loop3A_84  : i32 {
        %parallel_loop3A_91 = arith.index_cast %parallel_loop3A_90 : i32 to index
        %parallel_loop3A_92 = tpu.vector_load %arg9[%parallel_loop3A_91] {strides = array<i32>} : memref<8192xi32, #tpu.memory_space<vmem>>, vector<16xi32>,
        %parallel_loop3A_93 = tpu.vector_load_idx %arg6[%parallel_loop3A_92] : memref<64xf32, #tpu.memory_space<vmem>>[vector<16xi32>], vector<16xf32>,
        %parallel_loop3A_94 = arith.index_cast %parallel_loop3A_90 : i32 to index
        %parallel_loop3A_95 = tpu.vector_load %arg11[%parallel_loop3A_94] {strides = array<i32>} : memref<8192xf32, #tpu.memory_space<vmem>>, vector<16xf32>,
        tpu.vector_store %arg11[%parallel_loop3A_94], %parallel_loop3A_93 {strides = array<i32>} : memref<8192xf32, #tpu.memory_space<vmem>>, vector<16xf32>,
      } {sc.loop_unroll_factor = 16 : i64, sc.parallel_access}
      %mul3A_85 = arith.constant 8192 : i32
      %mul3A_86 = arith.muli %add3A_59, %mul3A_85 : i32
      %add3A_87 = arith.addi %mul3A_2, %mul3A_86 : i32
      %dma_start3A_88 = tpu.memref_slice %arg4[%add3A_87] : memref<1048576xf32, #tpu.memory_space<hbm>> -> memref<8192xf32, #tpu.memory_space<hbm>>
      %dma_start3A_89 = tpu.memref_slice %arg4[%add3A_87] : memref<1048576xf32, #tpu.memory_space<hbm>> -> memref<8192xf32, #tpu.memory_space<hbm>>
      tpu.enqueue_dma source(%arg11 : memref<8192xf32, #tpu.memory_space<vmem>>) target(%dma_start3A_89 : memref<8192xf32, #tpu.memory_space<hbm>>) target_semaphore(%arg13 : memref<!tpu.dma_semaphore, #tpu.memory_space<semaphore_mem>>)
    }
    %scan3A_13 = arith.constant 2 : i32
    %add3A_14 = arith.constant 16384 : i32
    %add3A_15 = arith.addi %mul3A_2, %add3A_14 : i32
    %dma_wait3A = tpu.memref_slice %arg4[%add3A_15] : memref<1048576xf32, #tpu.memory_space<hbm>> -> memref<8192xf32, #tpu.memory_space<hbm>>
    %dma_wait3A_16 = tpu.memref_slice %arg4[%add3A_15] : memref<1048576xf32, #tpu.memory_space<hbm>> -> memref<8192xf32, #tpu.memory_space<hbm>>
    tpu.wait_dma2 semaphore(%arg13 : memref<!tpu.dma_semaphore, #tpu.memory_space<semaphore_mem>>) src(%arg10 : memref<8192xf32, #tpu.memory_space<vmem>>) dst(%dma_wait3A_16 : memref<8192xf32, #tpu.memory_space<hbm>>)
    %add3A_17 = arith.constant 24576 : i32
    %add3A_18 = arith.addi %mul3A_2, %add3A_17 : i32
    %dma_wait3A_19 = tpu.memref_slice %arg4[%add3A_18] : memref<1048576xf32, #tpu.memory_space<hbm>> -> memref<8192xf32, #tpu.memory_space<hbm>>
    %dma_wait3A_20 = tpu.memref_slice %arg4[%add3A_18] : memref<1048576xf32, #tpu.memory_space<hbm>> -> memref<8192xf32, #tpu.memory_space<hbm>>
    tpu.wait_dma2 semaphore(%arg13 : memref<!tpu.dma_semaphore, #tpu.memory_space<semaphore_mem>>) src(%arg11 : memref<8192xf32, #tpu.memory_space<vmem>>) dst(%dma_wait3A_20 : memref<8192xf32, #tpu.memory_space<hbm>>)
    %scan3A_21 = arith.constant 0 : i32
    %scan3A_22 = arith.constant 0 : i32
    %scan3A_23 = arith.constant 4 : i32
    %scan3A_24 = arith.addi %scan3A_22, %scan3A_23 : i32
    %scan3A_25 = arith.constant 1 : i32
    scf.for %scan3A_27 = %scan3A_22 to %scan3A_24 step %scan3A_25  : i32 {
      %mul3A_28 = arith.constant 8192 : i32
      %mul3A_29 = arith.muli %scan3A_27, %mul3A_28 : i32
      %add3A_30 = arith.addi %mul3A_2, %mul3A_29 : i32
      %dma_wait3A_31 = tpu.memref_slice %arg5[%add3A_30] : memref<1048576xf32, #tpu.memory_space<hbm>> -> memref<8192xf32, #tpu.memory_space<hbm>>
      %dma_wait3A_32 = tpu.memref_slice %arg5[%add3A_30] : memref<1048576xf32, #tpu.memory_space<hbm>> -> memref<8192xf32, #tpu.memory_space<hbm>>
      tpu.wait_dma2 semaphore(%arg14 : memref<!tpu.dma_semaphore, #tpu.memory_space<semaphore_mem>>) src(%arg7 : memref<8192xf32, #tpu.memory_space<vmem>>) dst(%dma_wait3A_32 : memref<8192xf32, #tpu.memory_space<hbm>>)
    }
    %scan3A_26 = arith.constant 4 : i32
    return
  }
}

</mosaic_0001>

<sc_bundles>
// kernel: kernel.3.cloned.1.call-start
scs
__scs_entry_jumppad:
0x0: {  	(pc) =	sbr.rel $0x88, $3  }
0x1: {  	(tag) =	ssettag $0x0;
	lr =	simm.s32 $0x1  }
0x2: {  	[smem:$0x3F9F] =	sst lr;
	_ =	strace $0xD0000000  }
0x3: {  	_ = 	snop  }
0x4: {  	_ = 	snop  }
0x5: {  	_ = 	snop  }
0x6: {  	_ = 	snop  }
0x7: {  	_ = 	snop  }
__scs_overlays_trampoline_lowered:
0x8: {  	[smem:$0x3FAE] =	sst s0  }
0x9: {  	[smem:$0x3FAF] =	sst s1  }
0xa: {  	[smem:$0x3FB0] =	sst s2  }
0xb: {  	[smem:$0x3FB1] =	sst s3  }
0xc: {  	[smem:$0x3FB2] =	sst s4  }
0xd: {  	[smem:$0x3FB3] =	sst s5  }
0xe: {  	[smem:$0x3FB4] =	sst s6  }
0xf: {  	[smem:$0x3FB5] =	sst s7  }
0x10: {  	[smem:$0x3FB6] =	sst s8  }
0x11: {  	[smem:$0x3FB7] =	sst s9;
	s0 =	simm.s32 @!p0 $0x0  }
0x12: {  	s1 =	sld [smem:$0x3F9D];
	s0 =	simm.s32 @p0 $0x1  }
0x13: {  	[smem:$0x3FB8] =	sst s0;
	s0 =	simm.s32 @!p1 $0x0  }
0x14: {  	s2 =	sld [smem:$0x3F9C];
	s0 =	simm.s32 @p1 $0x1  }
0x15: {  	[smem:$0x3FB9] =	sst s0;
	s0 =	simm.s32 @!p2 $0x0  }
0x16: {  	s3 =	sld [smem:$0x3FDB];
	s0 =	simm.s32 @p2 $0x1  }
0x17: {  	s4 =	simm.s32 $0x1BF5;
	[smem:$0x3FBB] =	sst s0  }
0x18: {  	s0 =	sld [smem:$0x3F9E];
	_ =	swait.ge [sflag:s4], $0x0  }
0x19: {  	s7 =	sld [smem:$0x3F9F]  }
0x1a: {  	s8 =	sadd.s32 $0xFFFFE003, lr  }
0x1b: {  	s9 =	sadd.s32 $0xFFFFFEF7, lr;
	s5 =	simm.s32 $0xFFFFFFFF;
	p2 =	slt.u32 s8, $0xFFFFF086  }
0x1c: {  	p1 =	slt.u32 s9, $0xF7A;
	s5 =	simm.s32 @!p2 $0x0  }
0x1d: {  	s5 =	simm.s32 @p1 $0x1;
	p0 =	seq.s32 s7, s2  }
0x1e: {  	s7 =	smul.u32 @!p0 $0xF7A, s2;
	p2 =	seq.s32 @!p0 s5, $0x0  }
0x1f: {  	s9 =	smul.u32 $0xF7A, s1;
	s8 =	simm.s32 @!p0 $0x1BF5;
	p2 =	por !p2, p0  }
0x20: {  	[sflag:s8] =	ssyncset.s32 @!p0 $0xFFFFF086;
	s6 =	sadd.s32 @!p0 s3, s7;
	s7 =	simm.s32 @!p0 $0x108  }
0x21: {  	s3 =	sadd.s32 s3, s9;
	s6 =	sadd.s32 @!p0 $0x88, s6;
	s7 =	simm.s32 @p2 $0x1082  }
0x22: {  	[simem:s7], [sflag:s8] =	dma.local @!p0 [hbm:s6], $0xF7A  }
0x23: {  	s9 =	sor.u32 $0xD0000000, s2;
	s6 =	simm.s32 $0x108;
	_ =	swait.ge @!p0 [sflag:s8], $0x0  }
0x24: {  	s3 =	sadd.s32 $0x88, s3;
	s6 =	simm.s32 @!p1 $0x1082;
	[sflag:s4] =	ssyncset.s32 $0xFFFFF086  }
0x25: {  	[simem:s6], [sflag:s4] =	dma.local [hbm:s3], $0xF7A  }
0x26: {  	[smem:$0x3F9F] =	sst s1;
	(tag) =	ssettag s2;
	_ =	strace s9  }
0x27: {  	s1 =	sld [smem:$0x3FAF]  }
0x28: {  	s2 =	sld [smem:$0x3FB0]  }
0x29: {  	s4 =	sld [smem:$0x3FB2]  }
0x2a: {  	p0 =	seq.s32 s5, $0x0;
	s5 =	sld [smem:$0x3FB3]  }
0x2b: {  	s6 =	sld [smem:$0x3FB4]  }
0x2c: {  	s7 =	sld [smem:$0x3FB5]  }
0x2d: {  	s3 =	simm.s32 $0x108;
	s8 =	sld [smem:$0x3FB6]  }
0x2e: {  	s3 =	simm.s32 @!p0 $0x1082;
	s9 =	sld [smem:$0x3FB7]  }
0x2f: {  	lr =	sadd.s32 s0, s3;
	s0 =	sld [smem:$0x3FAE]  }
0x30: {  	s3 =	sld [smem:$0x3FB1]  }
0x31: {  	[smem:$0x3FBA] =	sst s10  }
0x32: {  	s10 =	sld [smem:$0x3FB8];
	_ =	sdelay $0x3  }
0x33: {  	p0 =	seq.s32 s10, $0x1;
	s10 =	sld [smem:$0x3FBA];
	_ =	sdelay $0x3  }
0x34: {  	[smem:$0x3FBA] =	sst s10  }
0x35: {  	s10 =	sld [smem:$0x3FB9];
	_ =	sdelay $0x3  }
0x36: {  	p1 =	seq.s32 s10, $0x1;
	s10 =	sld [smem:$0x3FBA];
	_ =	sdelay $0x3  }
0x37: {  	[smem:$0x3FBA] =	sst s10  }
0x38: {  	s10 =	sld [smem:$0x3FBB]  }
0x39: {  	_ = 	snop;
	(pc) =	sbr.ind lr, $3  }
0x3a: {  	_ = 	snop  }
0x3b: {  	_ = 	snop  }
0x3c: {  	p2 =	seq.s32 s10, $0x1;
	s10 =	sld [smem:$0x3FBA]  }
0x3d: {  	_ =	shalt  }
0x3e: {  	_ =	shalt  }
0x3f: {  	_ =	shalt  }
0x40: {  	_ =	shalt  }
0x41: {  	_ =	shalt  }
0x42: {  	_ =	shalt  }
0x43: {  	_ =	shalt  }
0x44: {  	_ =	shalt  }
0x45: {  	_ =	shalt  }
0x46: {  	_ =	shalt  }
0x47: {  	_ =	shalt  }
0x48: {  	_ =	shalt  }
0x49: {  	_ =	shalt  }
0x4a: {  	_ =	shalt  }
0x4b: {  	_ =	shalt  }
0x4c: {  	_ =	shalt  }
0x4d: {  	_ =	shalt  }
0x4e: {  	_ =	shalt  }
0x4f: {  	_ =	shalt  }
0x50: {  	_ =	shalt  }
0x51: {  	_ =	shalt  }
0x52: {  	_ =	shalt  }
0x53: {  	_ =	shalt  }
0x54: {  	_ =	shalt  }
0x55: {  	_ =	shalt  }
0x56: {  	_ =	shalt  }
0x57: {  	_ =	shalt  }
0x58: {  	_ =	shalt  }
0x59: {  	_ =	shalt  }
0x5a: {  	_ =	shalt  }
0x5b: {  	_ =	shalt  }
0x5c: {  	_ =	shalt  }
0x5d: {  	_ =	shalt  }
0x5e: {  	_ =	shalt  }
0x5f: {  	_ =	shalt  }
0x60: {  	_ =	shalt  }
0x61: {  	_ =	shalt  }
0x62: {  	_ =	shalt  }
0x63: {  	_ =	shalt  }
0x64: {  	_ =	shalt  }
0x65: {  	_ =	shalt  }
0x66: {  	_ =	shalt  }
0x67: {  	_ =	shalt  }
0x68: {  	_ =	shalt  }
0x69: {  	_ =	shalt  }
0x6a: {  	_ =	shalt  }
0x6b: {  	_ =	shalt  }
0x6c: {  	_ =	shalt  }
0x6d: {  	_ =	shalt  }
0x6e: {  	_ =	shalt  }
0x6f: {  	_ =	shalt  }
0x70: {  	_ =	shalt  }
0x71: {  	_ =	shalt  }
0x72: {  	_ =	shalt  }
0x73: {  	_ =	shalt  }
0x74: {  	_ =	shalt  }
0x75: {  	_ =	shalt  }
0x76: {  	_ =	shalt  }
0x77: {  	_ =	shalt  }
0x78: {  	_ =	shalt  }
0x79: {  	_ =	shalt  }
0x7a: {  	_ =	shalt  }
0x7b: {  	_ =	shalt  }
0x7c: {  	_ =	shalt  }
0x7d: {  	_ =	shalt  }
0x7e: {  	_ =	shalt  }
0x7f: {  	_ =	shalt  }
0x80: {  	_ =	shalt  }
0x81: {  	_ =	shalt  }
0x82: {  	_ =	shalt  }
0x83: {  	_ =	shalt  }
0x84: {  	_ =	shalt  }
0x85: {  	_ =	shalt  }
0x86: {  	_ =	shalt  }
0x87: {  	_ =	shalt  }
.Lfunc_end0:
.L_simem_size_0:
called_computation_lowered:
.L_overlay_start_0:
0x88: {  	s2 =	sld [smem:$0x3FD9]  }
0x89: {  	s3 =	sld [smem:$0x3FFE];
	_ =	sdelay $0x1  }
0x8a: {  	s1 =	srdreg.scid  }
0x8b: {  	s0 =	sand.u32 $0x1, s1  }
0x8c: {  	s14 =	sshll.u32 s0, $0xA;
	s2 =	sadd.s32 s3, s2  }
0x8d: {  	s2 =	sadd.s32 s2, s14  }
0x8e: {  	[smem:$0x3FC6] =	sst s2  }
0x8f: {  	_ = 	snop  }
0x90: {  	s2 =	sld [smem:$0x3FD0];
	_ =	sdelay $0x1  }
0x91: {  	s15 =	sld [smem:$0x3FC9]  }
0x92: {  	s5 =	simm.s32 $0xA;
	s6 =	simm.s32 $0x10;
	s4 =	sld [smem:$0x3FC8]  }
0x93: {  	[smem:s6], [sflag:s5] =	dma.local [hbm:s2], $0x1  }
0x94: {  	_ =	swait.eq [sflag:s5], $0x1  }
0x95: {  	[sflag:s5] =	ssyncset.done $0x0  }
0x96: {  	[sflag:s5] =	ssyncadd.s32 $0xFFFFFFFF  }
0x97: {  	s16 =	sld [smem:$0x11];
	(tm) =	ssettm $0x1  }
0x98: {  	s17 =	sld [smem:$0x3FFB];
	_ =	sdelay $0x3  }
0x99: {  	_ =	strace s17  }
0x9a: {  	s5 =	sld [smem:$0x3FFC];
	_ =	sdelay $0x3  }
0x9b: {  	_ =	strace s5  }
0x9c: {  	s5 =	sld [smem:$0x3FFD];
	_ =	sdelay $0x3  }
0x9d: {  	_ =	strace s5  }
0x9e: {  	_ =	strace $0x8FFFFFFF  }
0x9f: {  	s18 =	sld [smem:$0x3FDB];
	_ =	sdelay $0x1  }
0xa0: {  	s19 =	simm.s32 $_scs_section_size  }
0xa1: {  	s7 =	simm.s32 $_size__tile_overlayer_lowered;
	s8 =	simm.s32 $_tile_overlayer_lowered  }
0xa2: {  	s22 =	simm.s32 $0x1BFF;
	s21 =	sshll.u32 s8, $0x1;
	s5 =	sadd.s32 s19, s18  }
0xa3: {  	s9 =	simm.s32 $0x0;
	s20 =	sshll.u32 s7, $0x1;
	s7 =	sadd.s32 s21, s5  }
0xa4: {  	[timem:s9], [sflag:s22] =	dma.local [hbm:s7], s20  }
0xa5: {  	_ =	swait.ge [sflag:s22], s20  }
0xa6: {  	s6 =	ssub.s32 $0x0, s20;
	[sflag:s22] =	ssyncset.done $0x0  }
0xa7: {  	[sflag:s22] =	ssyncadd.s32 s6;
	_ =	sdelay $0x1  }
0xa8: {  	s23 =	simm.s32 $0x1B8B  }
0xa9: {  	_ =	swait.ge [sflag:s23], $0x1  }
0xaa: {  	[sflag:s23] =	ssyncset.done $0x0  }
0xab: {  	s25 =	simm.s32 $0x1B8E;
	s24 =	sld [smem:$0x3FFE];
	[sflag:s23] =	ssyncadd.s32 $0xFFFFFFFF  }
0xac: {  	s26 =	simm.s32 $execute0_lowered;
	[smem:$0x3FD2] =	sst s25  }
0xad: {  	s7 =	sshll.u32 s26, $0x1;
	_ =	strace $0x80000046;
	[dreg:$0x1] =	wrdreg $0xFFFFFFFF  }
0xae: {  	s28 =	simm.s32 $_size_execute0_lowered;
	s5 =	sadd.s32 s5, s7;
	[dreg:$0x0] =	wrdreg $0x0  }
0xaf: {  	s7 =	sshll.u32 s28, $0x1;
	[dreg:$0x2] =	wrdreg s5  }
0xb0: {  	[dreg:$0x3] =	wrdreg s7  }
0xb1: {  	[dreg:$0x4] =	wrdreg $0xC0  }
0xb2: {  	_ =	task [dreg:s9], $0x5FFFF  }
0xb3: {  	[dreg:$0x1] =	wrdreg $0xFFFFFFFF  }
0xb4: {  	[dreg:$0x0] =	wrdreg $0x60  }
0xb5: {  	[dreg:$0x2] =	wrdreg s15  }
0xb6: {  	[dreg:$0x3] =	wrdreg s4  }
0xb7: {  	[dreg:$0x4] =	wrdreg s24  }
0xb8: {  	[dreg:$0x5] =	wrdreg s16  }
0xb9: {  	[dreg:$0x6] =	wrdreg $0x9  }
0xba: {  	_ =	task.clear_ibuf [dreg:s9], $0x7FFFF;
	_ =	strace $0x90000046  }
0xbb: {  	s29 =	simm.s32 $0x9;
	_ =	strace $0x80000048  }
0xbc: {  	_ =	swait.ge [sflag:s29], $0x1  }
0xbd: {  	[sflag:s29] =	ssyncadd.s32 $0xFFFFFFFF  }
0xbe: {  	_ =	strace $0x90000048  }
0xbf: {  	_ =	sfence  }
0xc0: {  	s30 =	sld [smem:$0x0];
	_ =	sdelay $0x2  }
0xc1: {  	s31 =	sshll.u32 s1, $0xD;
	s1 =	sshrl.u32 s1, $0x2  }
0xc2: {  	s3 =	sand.u32 $0x4000, s31;
	s1 =	sadd.s32 s1, s30  }
0xc3: {  	s0 =	sor.u32 s3, s0;
	s1 =	sshll.u32 s1, $0x11  }
0xc4: {  	s0 =	sor.u32 s1, s0  }
0xc5: {  	s0 =	sadd.s32 $0x8F2B, s0  }
0xc6: {  	[sflag:s0] =	ssyncadd.remote.s32 $0x1  }
0xc7: {  	_ =	sfence.sel $0xFFFF  }
0xc8: {  	[dreg:$0x0] =	wrdreg $0xFFFFFFFF;
	(pc) =	sbr.abs _section_cstart, $3  }
0xc9: {  	[dreg:$0x1] =	wrdreg $0xFFFFFFFF  }
0xca: {  	_ =	task.clear_ibuf [dreg:s9], $0x2FFFF;
	_ =	strace $0x9FFFFFFF  }
0xcb: {  	(tm) =	ssettm $0x7FFFFFFF  }
tec
execute0_lowered:
.L_overlay_start_1:
0x0: {  	(tag) =	ssettag $0x1  }
0x1: {  	s1 =	rddreg [dreg:$0x0]  }
0x2: {  	s2 =	rddreg [dreg:$0x1]  }
0x3: {  	s7 =	rddreg [dreg:$0x2]  }
0x4: {  	s4 =	rddreg [dreg:$0x3]  }
0x5: {  	s0 =	rddreg [dreg:$0x4];
	s6 =	srdreg.scid  }
0x6: {  	s5 =	simm.s32 $0x0;
	s3 =	stileid.u32;
	s12 =	simm.s32 $0x4  }
0x7: {  	s13 =	simm.s32 $0x2080;
	s14 =	simm.s32 $0x4080;
	s15 =	simm.s32 $0x80  }
0x8: {  	s16 =	simm.s32 $0x1;
	s17 =	simm.s32 $0x6080;
	s18 =	simm.s32 $0x8080  }
0x9: {  	s19 =	simm.s32 $0x2;
	s20 =	simm.s32 $0x3;
	s6 =	sand.u32 $0x1, s6  }
0xa: {  	s21 =	simm.s32 $0x0;
	s8 =	sshll.u32 s3, $0x10;
	s9 =	sshll.u32 s6, $0xF  }
0xb: {  	[smem:$0x7FF] =	sst s5;
	s10 =	ssub.s32 $0x2, s6;
	s6 =	sor.u32 s9, s8  }
0xc: {  	s7 =	sadd.s32 $0x800, s7;
	s31 =	sshrl.u32 s10, $0x1;
	s9 =	sshrl.u32 s6, $0x3  }
0xd: {  	_ =	strace $0x80000047;
	s11 =	ssub.s32 s10, s31;
	s8 =	sadd.s32 s1, s9  }
0xe: {  	v0 =	vimm.f32 $1.562500000e-02;
	s9 =	sor.u32 $0x2000, s6;
	s11 =	smax.u32 s11, $0x1;
	s10 =	sadd.s32 $0x800, s8  }
.LBB2_1:
0xf: {  	[tilespmem:s5], [sflag:$0x4] =	stream.linear.gather [hbm4b:s2+s5], $0x80, $0x38;
	[tilespmem:$0xA080] =	vst v63  }
0x10: {  	_ =	swait.ge [sflag:s12], $0x80  }
0x11: {  	[sflag:s12] =	ssyncset.done $0x0  }
0x12: {  	s22 =	simm.s32 $0xC0;
	[sflag:s12] =	ssyncadd.s32 $0xFFFFFF80  }
0x13: {  	[tilespmem:s22+$0xFFFFFFC0] =	vst v0  }
0x14: {  	[tilespmem:s22+$0x30] =	vst v0  }
0x15: {  	[tilespmem:s22+$0x20] =	vst v0  }
0x16: {  	[tilespmem:s22+$0x10] =	vst v0  }
0x17: {  	[tilespmem:s22+$0x0] =	vst v0  }
0x18: {  	[tilespmem:s22+$0xFFFFFFF0] =	vst v0  }
0x19: {  	s23 =	simm.s32 $0x0;
	[tilespmem:s22+$0xFFFFFFE0] =	vst v0  }
.LBB2_2:
0x1a: {  	s23 =	sadd.s32 $0x80, s23;
	[tilespmem:s22+$0xFFFFFFD0] =	vst v0;
	s22 =	sadd.s32 $0x80, s22  }
0x1b: {  	[tilespmem:s22+$0xFFFFFFC0] =	vst v0;
	p0 =	slt.u32 s23, $0x1F80  }
0x1c: {  	[tilespmem:s22+$0x30] =	vst v0  }
.Ltmp0:
0x1d: {  	[tilespmem:s22+$0x20] =	vst v0;
	(pc) =	sbr.rel @p0 .LBB2_2-.Ltmp0, $4  }
0x1e: {  	[tilespmem:s22+$0x10] =	vst v0  }
0x1f: {  	[tilespmem:s22+$0x0] =	vst v0  }
0x20: {  	[tilespmem:s22+$0xFFFFFFF0] =	vst v0  }
0x21: {  	[tilespmem:s22+$0xFFFFFFE0] =	vst v0  }
0x22: {  	[tilespmem:s22+$0xFFFFFFD0] =	vst v0;
	s23 =	simm.s32 $0x0;
	p1 =	por $0x1, $0x1  }
0x23: {  	[tilespmem:s13], [sflag:$0x1] =	stream.linear.gather [hbm4b:s8+s23], $0x2000, $0x38;
	[tilespmem:$0xA080] =	vst v63  }
.LBB2_4:
0x24: {  	s22 =	sor.u32 s9, s23  }
0x25: {  	s29 =	sor.u32 s6, s23;
	s22 =	sshrl.u32 s22, $0x3  }
0x26: {  	s23 =	sshrl.u32 s29, $0x3;
	s24 =	sadd.s32 s1, s22  }
0x27: {  	[tilespmem:s14], [sflag:$0x1] =	stream.linear.gather [hbm4b:s24+s5], $0x2000, $0x38;
	[tilespmem:$0xA080] =	vst v63  }
0x28: {  	s30 =	sadd.s32 s4, s23  }
0x29: {  	[hbm4b:s30+s5] =	stream.linear.scatter [tilespmem:s15], [sflag:$0x3], $0x2000, $0x38;
	[tilespmem:$0xA080] =	vst v63  }
0x2a: {  	_ =	swait.ge [sflag:s16], $0x2000  }
0x2b: {  	[sflag:s16] =	ssyncset.done $0x0  }
0x2c: {  	s24 =	simm.s32 @!p1 $0x2;
	[sflag:s16] =	ssyncadd.s32 $0xFFFFE000  }
0x2d: {  	_ =	swait.ge @!p1 [sflag:s24], $0x2000  }
0x2e: {  	[sflag:s24] =	ssyncset.done @!p1 $0x0  }
0x2f: {  	s31 =	simm.s32 $0x2100;
	[sflag:s24] =	ssyncadd.s32 @!p1 $0xFFFFE000  }
0x30: {  	v1 =	vld [tilespmem:s31+$0x70]  }
0x31: {  	v2 =	vld [tilespmem:s31+$0xFFFFFF90]  }
0x32: {  	v3 =	vld [tilespmem:s31+$0xFFFFFFA0]  }
0x33: {  	v4 =	vld [tilespmem:s31+$0xFFFFFFB0]  }
0x34: {  	v5 =	vld [tilespmem:s31+$0xFFFFFFC0]  }
0x35: {  	v6 =	vld [tilespmem:s31+$0xFFFFFFD0]  }
0x36: {  	v7 =	vld [tilespmem:s31+$0xFFFFFFE0]  }
0x37: {  	v8 =	vld [tilespmem:s31+$0xFFFFFFF0]  }
0x38: {  	v9 =	vld [tilespmem:s31+$0x0]  }
0x39: {  	v10 =	vld [tilespmem:s31+$0x10]  }
0x3a: {  	v11 =	vld [tilespmem:s31+$0x20]  }
0x3b: {  	v12 =	vld [tilespmem:s31+$0x30]  }
0x3c: {  	v13 =	vld [tilespmem:s31+$0x40]  }
0x3d: {  	v14 =	vld [tilespmem:s31+$0x50]  }
0x3e: {  	v15 =	vld [tilespmem:s31+$0x60]  }
0x3f: {  	v16 =	vld [tilespmem:s31+$0xFFFFFF80]  }
0x40: {  	v1 =	vld.idx.msk [tilespmem:v1+s5+$0x0], $0xffff  }
0x41: {  	v2 =	vld.idx.msk [tilespmem:v2+s5+$0x0], $0xffff  }
0x42: {  	v3 =	vld.idx.msk [tilespmem:v3+s5+$0x0], $0xffff  }
0x43: {  	v4 =	vld.idx.msk [tilespmem:v4+s5+$0x0], $0xffff  }
0x44: {  	v5 =	vld.idx.msk [tilespmem:v5+s5+$0x0], $0xffff  }
0x45: {  	s24 =	simm.s32 $0x6100;
	v6 =	vld.idx.msk [tilespmem:v6+s5+$0x0], $0xffff  }
0x46: {  	v7 =	vld.idx.msk [tilespmem:v7+s5+$0x0], $0xffff;
	[tilespmem:s24+$0x70] =	vst v1  }
0x47: {  	v8 =	vld.idx.msk [tilespmem:v8+s5+$0x0], $0xffff;
	[tilespmem:s24+$0xFFFFFF90] =	vst v2  }
0x48: {  	v16 =	vld.idx.msk [tilespmem:v16+s5+$0x0], $0xffff;
	[tilespmem:s24+$0xFFFFFFA0] =	vst v3  }
0x49: {  	v9 =	vld.idx.msk [tilespmem:v9+s5+$0x0], $0xffff;
	[tilespmem:s24+$0xFFFFFFB0] =	vst v4  }
0x4a: {  	[tilespmem:s24+$0xFFFFFFC0] =	vst v5;
	v1 =	vld.idx.msk [tilespmem:v10+s5+$0x0], $0xffff  }
0x4b: {  	[tilespmem:s24+$0xFFFFFFD0] =	vst v6;
	v2 =	vld.idx.msk [tilespmem:v11+s5+$0x0], $0xffff  }
0x4c: {  	[tilespmem:s24+$0xFFFFFFE0] =	vst v7;
	v3 =	vld.idx.msk [tilespmem:v12+s5+$0x0], $0xffff  }
0x4d: {  	[tilespmem:s24+$0xFFFFFFF0] =	vst v8;
	v4 =	vld.idx.msk [tilespmem:v13+s5+$0x0], $0xffff  }
0x4e: {  	[tilespmem:s24+$0xFFFFFF80] =	vst v16;
	v5 =	vld.idx.msk [tilespmem:v14+s5+$0x0], $0xffff  }
0x4f: {  	p0 =	por p1, p1;
	s25 =	simm.s32 $0x0;
	s26 =	simm.s32 $0x2200;
	[tilespmem:s24+$0x0] =	vst v9;
	v6 =	vld.idx.msk [tilespmem:v15+s5+$0x0], $0xffff  }
.LBB2_5:
0x50: {  	v7 =	vld [tilespmem:s26+$0x70];
	s25 =	sadd.s32 $0x100, s25;
	[tilespmem:s24+$0x10] =	vst v1  }
0x51: {  	v1 =	vld [tilespmem:s26+$0xFFFFFF90];
	p1 =	slt.u32 s25, $0x1F00;
	[tilespmem:s24+$0x20] =	vst v2  }
0x52: {  	v2 =	vld [tilespmem:s26+$0xFFFFFFA0];
	[tilespmem:s24+$0x30] =	vst v3  }
0x53: {  	v3 =	vld [tilespmem:s26+$0xFFFFFFB0];
	[tilespmem:s24+$0x40] =	vst v4  }
0x54: {  	v4 =	vld [tilespmem:s26+$0xFFFFFFC0];
	[tilespmem:s24+$0x50] =	vst v5  }
0x55: {  	v5 =	vld [tilespmem:s26+$0xFFFFFFD0];
	[tilespmem:s24+$0x60] =	vst v6  }
0x56: {  	v6 =	vld [tilespmem:s26+$0xFFFFFFE0]  }
0x57: {  	v8 =	vld [tilespmem:s26+$0xFFFFFFF0]  }
0x58: {  	v7 =	vld.idx.msk [tilespmem:v7+s5+$0x0], $0xffff  }
0x59: {  	v9 =	vld [tilespmem:s26+$0x0]  }
0x5a: {  	v10 =	vld [tilespmem:s26+$0x10]  }
0x5b: {  	v11 =	vld [tilespmem:s26+$0x20]  }
0x5c: {  	v12 =	vld [tilespmem:s26+$0x30]  }
0x5d: {  	s24 =	sadd.s32 $0x100, s24;
	v13 =	vld [tilespmem:s26+$0x40]  }
0x5e: {  	v14 =	vld [tilespmem:s26+$0x50];
	[tilespmem:s24+$0x70] =	vst v7  }
0x5f: {  	v7 =	vld [tilespmem:s26+$0x60]  }
0x60: {  	v15 =	vld [tilespmem:s26+$0xFFFFFF80]  }
0x61: {  	v1 =	vld.idx.msk [tilespmem:v1+s5+$0x0], $0xffff  }
0x62: {  	v2 =	vld.idx.msk [tilespmem:v2+s5+$0x0], $0xffff  }
0x63: {  	v3 =	vld.idx.msk [tilespmem:v3+s5+$0x0], $0xffff  }
0x64: {  	v4 =	vld.idx.msk [tilespmem:v4+s5+$0x0], $0xffff  }
0x65: {  	v5 =	vld.idx.msk [tilespmem:v5+s5+$0x0], $0xffff  }
0x66: {  	v6 =	vld.idx.msk [tilespmem:v6+s5+$0x0], $0xffff  }
0x67: {  	[tilespmem:s24+$0xFFFFFF90] =	vst v1;
	v8 =	vld.idx.msk [tilespmem:v8+s5+$0x0], $0xffff  }
0x68: {  	v15 =	vld.idx.msk [tilespmem:v15+s5+$0x0], $0xffff;
	[tilespmem:s24+$0xFFFFFFA0] =	vst v2  }
0x69: {  	[tilespmem:s24+$0xFFFFFFB0] =	vst v3;
	v9 =	vld.idx.msk [tilespmem:v9+s5+$0x0], $0xffff  }
0x6a: {  	[tilespmem:s24+$0xFFFFFFC0] =	vst v4;
	v1 =	vld.idx.msk [tilespmem:v10+s5+$0x0], $0xffff  }
.Ltmp1:
0x6b: {  	[tilespmem:s24+$0xFFFFFFD0] =	vst v5;
	v2 =	vld.idx.msk [tilespmem:v11+s5+$0x0], $0xffff;
	(pc) =	sbr.rel @p1 .LBB2_5-.Ltmp1, $4  }
0x6c: {  	[tilespmem:s24+$0xFFFFFFE0] =	vst v6;
	v3 =	vld.idx.msk [tilespmem:v12+s5+$0x0], $0xffff  }
0x6d: {  	[tilespmem:s24+$0xFFFFFFF0] =	vst v8;
	v4 =	vld.idx.msk [tilespmem:v13+s5+$0x0], $0xffff  }
0x6e: {  	[tilespmem:s24+$0xFFFFFF80] =	vst v15;
	v5 =	vld.idx.msk [tilespmem:v14+s5+$0x0], $0xffff  }
0x6f: {  	s26 =	sadd.s32 $0x100, s26;
	[tilespmem:s24+$0x0] =	vst v9;
	v6 =	vld.idx.msk [tilespmem:v7+s5+$0x0], $0xffff  }
0x70: {  	[tilespmem:s24+$0x10] =	vst v1  }
0x71: {  	[tilespmem:s24+$0x20] =	vst v2  }
0x72: {  	[tilespmem:s24+$0x30] =	vst v3  }
0x73: {  	[tilespmem:s24+$0x40] =	vst v4  }
0x74: {  	[tilespmem:s24+$0x50] =	vst v5  }
0x75: {  	s23 =	sadd.s32 s7, s23;
	[tilespmem:s24+$0x60] =	vst v6  }
0x76: {  	[hbm4b:s23+s5] =	stream.linear.scatter [tilespmem:s17], [sflag:$0x2], $0x2000, $0x38;
	[tilespmem:$0xA080] =	vst v63  }
0x77: {  	s25 =	simm.s32 @!p0 $0x80;
	s24 =	simm.s32 @!p0 $0x0;
	s23 =	sadd.s32 @!p0 s4, s22  }
0x78: {  	[hbm4b:s23+s24] =	stream.linear.scatter @!p0 [tilespmem:s25], [sflag:$0x3], $0x2000, $0x38;
	[tilespmem:$0xA080] =	vst v63  }
0x79: {  	s23 =	simm.s32 @!p0 $0x1  }
0x7a: {  	_ =	swait.ge @!p0 [sflag:s23], $0x2000  }
0x7b: {  	[sflag:s23] =	ssyncset.done @!p0 $0x0  }
0x7c: {  	s24 =	simm.s32 @p0 $0x2080;
	[sflag:s23] =	ssyncadd.s32 @!p0 $0xFFFFE000;
	s23 =	simm.s32 @p0 $0x0  }
0x7d: {  	[tilespmem:s24], [sflag:$0x1] =	stream.linear.gather @p0 [hbm4b:s10+s23], $0x2000, $0x38;
	[tilespmem:$0xA080] =	vst v63  }
0x7e: {  	s24 =	simm.s32 @!p0 $0x2  }
0x7f: {  	s26 =	simm.s32 @p0 $0x80;
	s25 =	sadd.s32 @p0 s4, s22;
	s24 =	simm.s32 @p0 $0x1  }
0x80: {  	[hbm4b:s25+s23] =	stream.linear.scatter @p0 [tilespmem:s26], [sflag:$0x3], $0x2000, $0x38;
	[tilespmem:$0xA080] =	vst v63  }
0x81: {  	_ =	swait.ge [sflag:s24], $0x2000  }
0x82: {  	[sflag:s24] =	ssyncset.done $0x0  }
0x83: {  	s31 =	simm.s32 $0x4100;
	[sflag:s24] =	ssyncadd.s32 $0xFFFFE000  }
0x84: {  	v1 =	vld [tilespmem:s31+$0x70]  }
0x85: {  	v2 =	vld [tilespmem:s31+$0xFFFFFF90]  }
0x86: {  	v3 =	vld [tilespmem:s31+$0xFFFFFFA0]  }
0x87: {  	v4 =	vld [tilespmem:s31+$0xFFFFFFB0]  }
0x88: {  	v5 =	vld [tilespmem:s31+$0xFFFFFFC0]  }
0x89: {  	v6 =	vld [tilespmem:s31+$0xFFFFFFD0]  }
0x8a: {  	v7 =	vld [tilespmem:s31+$0xFFFFFFE0]  }
0x8b: {  	v8 =	vld [tilespmem:s31+$0xFFFFFFF0]  }
0x8c: {  	v9 =	vld [tilespmem:s31+$0x0]  }
0x8d: {  	v10 =	vld [tilespmem:s31+$0x10]  }
0x8e: {  	v11 =	vld [tilespmem:s31+$0x20]  }
0x8f: {  	v12 =	vld [tilespmem:s31+$0x30]  }
0x90: {  	v13 =	vld [tilespmem:s31+$0x40]  }
0x91: {  	v14 =	vld [tilespmem:s31+$0x50]  }
0x92: {  	v15 =	vld [tilespmem:s31+$0x60]  }
0x93: {  	v16 =	vld [tilespmem:s31+$0xFFFFFF80]  }
0x94: {  	v1 =	vld.idx.msk [tilespmem:v1+s5+$0x0], $0xffff  }
0x95: {  	v2 =	vld.idx.msk [tilespmem:v2+s5+$0x0], $0xffff  }
0x96: {  	v3 =	vld.idx.msk [tilespmem:v3+s5+$0x0], $0xffff  }
0x97: {  	v4 =	vld.idx.msk [tilespmem:v4+s5+$0x0], $0xffff  }
0x98: {  	v5 =	vld.idx.msk [tilespmem:v5+s5+$0x0], $0xffff  }
0x99: {  	s23 =	simm.s32 $0x8100;
	v6 =	vld.idx.msk [tilespmem:v6+s5+$0x0], $0xffff  }
0x9a: {  	v7 =	vld.idx.msk [tilespmem:v7+s5+$0x0], $0xffff;
	[tilespmem:s23+$0x70] =	vst v1  }
0x9b: {  	v8 =	vld.idx.msk [tilespmem:v8+s5+$0x0], $0xffff;
	[tilespmem:s23+$0xFFFFFF90] =	vst v2  }
0x9c: {  	v16 =	vld.idx.msk [tilespmem:v16+s5+$0x0], $0xffff;
	[tilespmem:s23+$0xFFFFFFA0] =	vst v3  }
0x9d: {  	v9 =	vld.idx.msk [tilespmem:v9+s5+$0x0], $0xffff;
	[tilespmem:s23+$0xFFFFFFB0] =	vst v4  }
0x9e: {  	[tilespmem:s23+$0xFFFFFFC0] =	vst v5;
	v1 =	vld.idx.msk [tilespmem:v10+s5+$0x0], $0xffff  }
0x9f: {  	[tilespmem:s23+$0xFFFFFFD0] =	vst v6;
	v2 =	vld.idx.msk [tilespmem:v11+s5+$0x0], $0xffff  }
0xa0: {  	[tilespmem:s23+$0xFFFFFFE0] =	vst v7;
	v3 =	vld.idx.msk [tilespmem:v12+s5+$0x0], $0xffff  }
0xa1: {  	[tilespmem:s23+$0xFFFFFFF0] =	vst v8;
	v4 =	vld.idx.msk [tilespmem:v13+s5+$0x0], $0xffff  }
0xa2: {  	[tilespmem:s23+$0xFFFFFF80] =	vst v16;
	v5 =	vld.idx.msk [tilespmem:v14+s5+$0x0], $0xffff  }
0xa3: {  	s25 =	simm.s32 $0x4200;
	s24 =	simm.s32 $0x0;
	[tilespmem:s23+$0x0] =	vst v9;
	v6 =	vld.idx.msk [tilespmem:v15+s5+$0x0], $0xffff  }
.LBB2_7:
0xa4: {  	v7 =	vld [tilespmem:s25+$0x70];
	s24 =	sadd.s32 $0x100, s24;
	[tilespmem:s23+$0x10] =	vst v1  }
0xa5: {  	v1 =	vld [tilespmem:s25+$0xFFFFFF90];
	p1 =	slt.u32 s24, $0x1F00;
	[tilespmem:s23+$0x20] =	vst v2  }
0xa6: {  	v2 =	vld [tilespmem:s25+$0xFFFFFFA0];
	[tilespmem:s23+$0x30] =	vst v3  }
0xa7: {  	v3 =	vld [tilespmem:s25+$0xFFFFFFB0];
	[tilespmem:s23+$0x40] =	vst v4  }
0xa8: {  	v4 =	vld [tilespmem:s25+$0xFFFFFFC0];
	[tilespmem:s23+$0x50] =	vst v5  }
0xa9: {  	v5 =	vld [tilespmem:s25+$0xFFFFFFD0];
	[tilespmem:s23+$0x60] =	vst v6  }
0xaa: {  	v6 =	vld [tilespmem:s25+$0xFFFFFFE0]  }
0xab: {  	v8 =	vld [tilespmem:s25+$0xFFFFFFF0]  }
0xac: {  	v7 =	vld.idx.msk [tilespmem:v7+s5+$0x0], $0xffff  }
0xad: {  	v9 =	vld [tilespmem:s25+$0x0]  }
0xae: {  	v10 =	vld [tilespmem:s25+$0x10]  }
0xaf: {  	v11 =	vld [tilespmem:s25+$0x20]  }
0xb0: {  	v12 =	vld [tilespmem:s25+$0x30]  }
0xb1: {  	s23 =	sadd.s32 $0x100, s23;
	v13 =	vld [tilespmem:s25+$0x40]  }
0xb2: {  	v14 =	vld [tilespmem:s25+$0x50];
	[tilespmem:s23+$0x70] =	vst v7  }
0xb3: {  	v7 =	vld [tilespmem:s25+$0x60]  }
0xb4: {  	v15 =	vld [tilespmem:s25+$0xFFFFFF80]  }
0xb5: {  	v1 =	vld.idx.msk [tilespmem:v1+s5+$0x0], $0xffff  }
0xb6: {  	v2 =	vld.idx.msk [tilespmem:v2+s5+$0x0], $0xffff  }
0xb7: {  	v3 =	vld.idx.msk [tilespmem:v3+s5+$0x0], $0xffff  }
0xb8: {  	v4 =	vld.idx.msk [tilespmem:v4+s5+$0x0], $0xffff  }
0xb9: {  	v5 =	vld.idx.msk [tilespmem:v5+s5+$0x0], $0xffff  }
0xba: {  	v6 =	vld.idx.msk [tilespmem:v6+s5+$0x0], $0xffff  }
0xbb: {  	[tilespmem:s23+$0xFFFFFF90] =	vst v1;
	v8 =	vld.idx.msk [tilespmem:v8+s5+$0x0], $0xffff  }
0xbc: {  	v15 =	vld.idx.msk [tilespmem:v15+s5+$0x0], $0xffff;
	[tilespmem:s23+$0xFFFFFFA0] =	vst v2  }
0xbd: {  	[tilespmem:s23+$0xFFFFFFB0] =	vst v3;
	v9 =	vld.idx.msk [tilespmem:v9+s5+$0x0], $0xffff  }
0xbe: {  	[tilespmem:s23+$0xFFFFFFC0] =	vst v4;
	v1 =	vld.idx.msk [tilespmem:v10+s5+$0x0], $0xffff  }
.Ltmp2:
0xbf: {  	[tilespmem:s23+$0xFFFFFFD0] =	vst v5;
	v2 =	vld.idx.msk [tilespmem:v11+s5+$0x0], $0xffff;
	(pc) =	sbr.rel @p1 .LBB2_7-.Ltmp2, $4  }
0xc0: {  	[tilespmem:s23+$0xFFFFFFE0] =	vst v6;
	v3 =	vld.idx.msk [tilespmem:v12+s5+$0x0], $0xffff  }
0xc1: {  	[tilespmem:s23+$0xFFFFFFF0] =	vst v8;
	v4 =	vld.idx.msk [tilespmem:v13+s5+$0x0], $0xffff  }
0xc2: {  	[tilespmem:s23+$0xFFFFFF80] =	vst v15;
	v5 =	vld.idx.msk [tilespmem:v14+s5+$0x0], $0xffff  }
0xc3: {  	s25 =	sadd.s32 $0x100, s25;
	[tilespmem:s23+$0x0] =	vst v9;
	v6 =	vld.idx.msk [tilespmem:v7+s5+$0x0], $0xffff  }
0xc4: {  	[tilespmem:s23+$0x10] =	vst v1  }
0xc5: {  	[tilespmem:s23+$0x20] =	vst v2  }
.Ltmp3:
0xc6: {  	[tilespmem:s23+$0x30] =	vst v3;
	(pc) =	sbr.rel @p0 .LBB2_4-.Ltmp3, $4  }
0xc7: {  	[tilespmem:s23+$0x40] =	vst v4  }
0xc8: {  	[tilespmem:s23+$0x50] =	vst v5  }
0xc9: {  	s22 =	sadd.s32 s7, s22;
	p1 =	por $0x0, $0x0;
	[tilespmem:s23+$0x60] =	vst v6;
	s23 =	simm.s32 $0x4000  }
0xca: {  	[hbm4b:s22+s5] =	stream.linear.scatter [tilespmem:s18], [sflag:$0x2], $0x2000, $0x38;
	[tilespmem:$0xA080] =	vst v63  }
0xcb: {  	_ =	swait.ge [sflag:s19], $0x2000  }
0xcc: {  	[sflag:s19] =	ssyncset.done $0x0  }
0xcd: {  	[sflag:s19] =	ssyncadd.s32 $0xFFFFE000  }
0xce: {  	_ =	swait.ge [sflag:s19], $0x2000  }
0xcf: {  	[sflag:s19] =	ssyncset.done $0x0  }
0xd0: {  	[sflag:s19] =	ssyncadd.s32 $0xFFFFE000  }
0xd1: {  	_ =	swait.ge [sflag:s20], $0x2000  }
0xd2: {  	[sflag:s20] =	ssyncset.done $0x0  }
0xd3: {  	[sflag:s20] =	ssyncadd.s32 $0xFFFFE000  }
0xd4: {  	_ =	swait.ge [sflag:s20], $0x2000  }
0xd5: {  	[sflag:s20] =	ssyncset.done $0x0  }
0xd6: {  	s21 =	sadd.s32 $0x1, s21;
	[sflag:s20] =	ssyncadd.s32 $0xFFFFE000  }
0xd7: {  	p0 =	sne.s32 s21, s11;
	_ =	swait.ge [sflag:s20], $0x2000  }
.Ltmp4:
0xd8: {  	[sflag:s20] =	ssyncset.done $0x0;
	(pc) =	sbr.rel @p0 .LBB2_1-.Ltmp4, $4  }
0xd9: {  	[sflag:s20] =	ssyncadd.s32 $0xFFFFE000  }
0xda: {  	_ =	swait.ge [sflag:s20], $0x2000  }
0xdb: {  	[sflag:s20] =	ssyncset.done $0x0  }
0xdc: {  	[sflag:s20] =	ssyncadd.s32 $0xFFFFE000  }
0xdd: {  	_ =	sfence.sel $0x180000  }
0xde: {  	[bflag:$0x0] =	sbarrier.arrive $0xFFFF  }
0xdf: {  	p0 =	sne.s32 s3, $0x0;
	_ =	strace $0x90000047  }
0xe0: {  	s0 =	sadd.s32 @!p0 $0x100000, s0;
	[bflag:$0x2] =	sbarrier.arrive $0xFFFF  }
0xe1: {  	[sflag:s0] =	ssyncadd.tile.s32 @!p0 $0x1;
	_ =	shalt  }
.Lfunc_end2:
_tile_overlayer_lowered:
.L_overlay_start_2:
0xe2: {  	(tag) =	ssettag $0x2  }
0xe3: {  	s0 =	rddreg [dreg:$0x0];
	s2 =	stileid.u32  }
0xe4: {  	s1 =	rddreg [dreg:$0x1];
	p0 =	sne.s32 s2, $0x0  }
0xe5: {  	s3 =	rddreg [dreg:$0x2];
	[bflag:$0x3] =	sbarrier.arrive $0xFFFF;
	s2 =	simm.s32 @!p0 $0x1C04  }
0xe6: {  	[timem:s3], [sflag:s2] =	dma.local @!p0 [hbm:s0], s1  }
0xe7: {  	s0 =	simm.s32 @!p0 $0x4  }
0xe8: {  	_ =	swait.ge @!p0 [sflag:s0], s1  }
0xe9: {  	s1 =	ssub.s32 @!p0 $0x0, s1;
	[sflag:s0] =	ssyncset.done @!p0 $0x0  }
0xea: {  	[sflag:s0] =	ssyncadd.s32 @!p0 s1  }
0xeb: {  	[bflag:$0x3] =	sbarrier.arrive $0xFFFF  }
0xec: {  	_ =	shalt  }

</sc_bundles>
